<compile_context>
chip_gen: v7x
topology: tpu7x:2x2x1
jax: 0.10.2.dev20260603
libtpu: 0.0.44.dev20260713+nightly
codegen_flags: <defaults>
</compile_context>

<pallas_src>
import functools

import jax
import jax.numpy as jnp
from jax import lax
from jax.experimental import pallas as pl
from jax.experimental.pallas import tpu as pltpu
from jax.experimental.pallas import tpu_sc as plsc

NUM_FIELDS = 26
VOCAB = 100000
DIM = 32
B = 4096

_LANES = 16
_H0 = 50048
_H1 = VOCAB - _H0


def _make_gather():
    mesh = plsc.VectorSubcoreMesh(core_axis_name="c", subcore_axis_name="s")

    @functools.partial(
        pl.kernel,
        mesh=mesh,
        out_type=jax.ShapeDtypeStruct((NUM_FIELDS, DIM, B), jnp.float32),
        compiler_params=pltpu.CompilerParams(needs_layout_passes=False),
        scratch_types=[
            pltpu.VMEM((_H0,), jnp.float32),
            pltpu.VMEM((_H1,), jnp.float32),
            pltpu.VMEM((B,), jnp.int32),
            pltpu.VMEM((B,), jnp.int32),
            pltpu.VMEM((B,), jnp.float32),
            pltpu.VMEM((B,), jnp.float32),
            pltpu.SemaphoreType.DMA,
            pltpu.SemaphoreType.DMA,
            pltpu.SemaphoreType.DMA,
            pltpu.SemaphoreType.DMA,
            pltpu.SemaphoreType.DMA,
        ],
    )
    def gather_kernel(table_hbm, idx_hbm, out_hbm,
                      h0_v, h1_v, idx_v0, idx_v1, out_v0, out_v1,
                      sem_h0, sem_h1, sem_idx, sem_o0, sem_o1):
        d = lax.axis_index("s") * 2 + lax.axis_index("c")
        idx_bufs = (idx_v0, idx_v1)
        out_bufs = (out_v0, out_v1)
        o_sems = (sem_o0, sem_o1)

        def half_copy(f, h):
            if h == 0:
                return pltpu.make_async_copy(
                    table_hbm.at[f, d, pl.ds(0, _H0)], h0_v, sem_h0)
            return pltpu.make_async_copy(
                table_hbm.at[f, d, pl.ds(_H0, _H1)], h1_v, sem_h1)

        def idx_copy(f, p):
            return pltpu.make_async_copy(idx_hbm.at[f, 0], idx_bufs[p], sem_idx)

        def out_copy(f, p):
            return pltpu.make_async_copy(out_bufs[p], out_hbm.at[f, d], o_sems[p])

        idx_copy(0, 0).start()
        half_copy(0, 0).start()
        half_copy(0, 1).start()

        def body(j, _):
            for ff in (0, 1):
                f = 2 * j + ff
                p, pn = ff, 1 - ff
                idx_v = idx_bufs[p]
                out_v = out_bufs[p]

                idx_copy(f, p).wait()

                @pl.when(f < NUM_FIELDS - 1)
                def _():
                    idx_copy(f + 1, pn).start()

                half_copy(f, 0).wait()

                @pl.when(f >= 2)
                def _():
                    out_copy(f - 2, p).wait()

                def pass0(c, _):
                    off = c * _LANES
                    vi = idx_v[pl.ds(off, _LANES)]
                    m = vi < _H0
                    out_v[pl.ds(off, _LANES)] = plsc.load_gather(
                        h0_v, [vi], mask=m)
                    return _

                lax.fori_loop(0, B // _LANES, pass0, None)

                @pl.when(f < NUM_FIELDS - 1)
                def _():
                    half_copy(f + 1, 0).start()

                half_copy(f, 1).wait()

                def pass1(c, _):
                    off = c * _LANES
                    vi = idx_v[pl.ds(off, _LANES)]
                    m = vi >= _H0
                    g = plsc.load_gather(h1_v, [vi - _H0], mask=m)
                    prev = out_v[pl.ds(off, _LANES)]
                    out_v[pl.ds(off, _LANES)] = jnp.where(m, g, prev)
                    return _

                lax.fori_loop(0, B // _LANES, pass1, None)

                @pl.when(f < NUM_FIELDS - 1)
                def _():
                    half_copy(f + 1, 1).start()

                out_copy(f, p).start()
            return _

        lax.fori_loop(0, NUM_FIELDS // 2, body, None)

        out_copy(NUM_FIELDS - 2, 0).wait()
        out_copy(NUM_FIELDS - 1, 1).wait()

    return gather_kernel


_gather = _make_gather()


def kernel(all_inputs, tables):
    idx_t = all_inputs.transpose(2, 1, 0)
    tables_t = tables.transpose(0, 2, 1)
    out_t = _gather(tables_t, idx_t)
    return out_t.transpose(2, 0, 1)

# --- scband reference (transcript-rebuilt; emitter-appended) ---
"""Pipeline reference for scband-static-embedding-67138928771463 (READ-ONLY COPY).

The authoritative reference and input builder live on the scoring server;
editing this copy changes nothing except your own understanding.
"""

import jax, jax.numpy as jnp
import numpy as np

NUM_FIELDS = 26
VOCAB = 100000
DIM = 32
B = 4096
S = 50


def setup_inputs(seed: int = 0) -> dict:
    key = jax.random.key(seed)
    k1, k2 = jax.random.split(key)
    # all_inputs holds categorical indices only (num_regular_variables == 0)
    all_inputs = jax.random.randint(k1, (B, S, NUM_FIELDS), 0, VOCAB, dtype=jnp.int32)
    # 26 embedding tables, each [VOCAB, DIM], stacked into one array
    tables = jax.random.normal(k2, (NUM_FIELDS, VOCAB, DIM), dtype=jnp.float32) * 0.02
    return {"all_inputs": all_inputs, "tables": tables}


def reference(all_inputs, tables):
    # input_size == num_categorical_variables, so num_regular_variables == 0:
    # regular_inputs is an empty slice and the Linear branch produces no entries.
    # categorical_inputs == all_inputs.
    # Embed every field over the full sequence (faithful to the torch forward),
    # then take the first timestep of each and stack along dim=1.
    embedded_inputs = [tables[i][all_inputs[:, :, i]] for i in range(NUM_FIELDS)]  # each [B, S, DIM]
    static_inputs = jnp.stack([e[:, 0, :] for e in embedded_inputs], axis=1)  # [B, NUM_FIELDS, DIM]
    return static_inputs

if __name__ == "__main__":
    import jax
    _d = setup_inputs()
    print(jax.jit(kernel)(*tuple(_d.values())))

</pallas_src>

<mosaic_0001>
#map = affine_map<(d0, d1) -> (0, 0, 0)>
module attributes {stable_mosaic.version = 14 : i64} {
  func.func @gather_kernel(%arg0: i32, %arg1: i32, %arg2: memref<26x32x100000xf32, #tpu.memory_space<hbm>>, %arg3: memref<26x50x4096xi32, #tpu.memory_space<hbm>>, %arg4: memref<26x32x4096xf32, #tpu.memory_space<hbm>>, %arg5: memref<50048xf32, #tpu.memory_space<vmem>>, %arg6: memref<49952xf32, #tpu.memory_space<vmem>>, %arg7: memref<4096xi32, #tpu.memory_space<vmem>>, %arg8: memref<4096xi32, #tpu.memory_space<vmem>>, %arg9: memref<4096xf32, #tpu.memory_space<vmem>>, %arg10: memref<4096xf32, #tpu.memory_space<vmem>>, %arg11: memref<!tpu.dma_semaphore, #tpu.memory_space<semaphore_mem>>, %arg12: memref<!tpu.dma_semaphore, #tpu.memory_space<semaphore_mem>>, %arg13: memref<!tpu.dma_semaphore, #tpu.memory_space<semaphore_mem>>, %arg14: memref<!tpu.dma_semaphore, #tpu.memory_space<semaphore_mem>>, %arg15: memref<!tpu.dma_semaphore, #tpu.memory_space<semaphore_mem>>) attributes {dimension_semantics = [#tpu.dimension_semantics<core_parallel>, #tpu.dimension_semantics<subcore_parallel>], iteration_bounds = array<i64: 2, 16>, scalar_prefetch = 0 : i64, scratch_operands = 11 : i64, tpu.core_type = #tpu.core_type<sc_vector_subcore>, window_params = [{transform_indices = #map}, {transform_indices = #map}, {transform_indices = #map}]} {
    %mul3A = arith.constant 2 : i32
    %mul3A_0 = arith.muli %arg1, %mul3A : i32
    %add3A = arith.addi %mul3A_0, %arg0 : i32
    %dma_start3A = arith.constant 0 : i32
    %dma_start3A_1 = arith.constant 0 : i32
    %dma_start3A_2 = arith.constant 0 : i32
    %dma_start3A_3 = tpu.memref_slice %arg3[%dma_start3A, %dma_start3A_1, %dma_start3A_2] : memref<26x50x4096xi32, #tpu.memory_space<hbm>> -> memref<1x1x4096xi32, #tpu.memory_space<hbm>>
    %dma_start3A_4 = tpu.memref_squeeze %dma_start3A_3 : memref<1x1x4096xi32, #tpu.memory_space<hbm>> -> memref<4096xi32, #tpu.memory_space<hbm>>
    %dma_start3A_5 = arith.constant 0 : i32
    %dma_start3A_6 = tpu.memref_slice %arg3[%dma_start3A, %dma_start3A_1, %dma_start3A_5] : memref<26x50x4096xi32, #tpu.memory_space<hbm>> -> memref<1x1x4096xi32, #tpu.memory_space<hbm>>
    %dma_start3A_7 = tpu.memref_squeeze %dma_start3A_6 : memref<1x1x4096xi32, #tpu.memory_space<hbm>> -> memref<4096xi32, #tpu.memory_space<hbm>>
    tpu.enqueue_dma source(%dma_start3A_7 : memref<4096xi32, #tpu.memory_space<hbm>>) target(%arg7 : memref<4096xi32, #tpu.memory_space<vmem>>) target_semaphore(%arg13 : memref<!tpu.dma_semaphore, #tpu.memory_space<semaphore_mem>>)
    %dma_start3A_8 = arith.constant 0 : i32
    %dma_start3A_9 = arith.constant 0 : i32
    %dma_start3A_10 = tpu.memref_slice %arg2[%dma_start3A_8, %add3A, %dma_start3A_9] : memref<26x32x100000xf32, #tpu.memory_space<hbm>> -> memref<1x1x50048xf32, #tpu.memory_space<hbm>>
    %dma_start3A_11 = tpu.memref_squeeze %dma_start3A_10 : memref<1x1x50048xf32, #tpu.memory_space<hbm>> -> memref<50048xf32, #tpu.memory_space<hbm>>
    %dma_start3A_12 = arith.constant 0 : i32
    %dma_start3A_13 = tpu.memref_slice %arg2[%dma_start3A_8, %add3A, %dma_start3A_12] : memref<26x32x100000xf32, #tpu.memory_space<hbm>> -> memref<1x1x50048xf32, #tpu.memory_space<hbm>>
    %dma_start3A_14 = tpu.memref_squeeze %dma_start3A_13 : memref<1x1x50048xf32, #tpu.memory_space<hbm>> -> memref<50048xf32, #tpu.memory_space<hbm>>
    tpu.enqueue_dma source(%dma_start3A_14 : memref<50048xf32, #tpu.memory_space<hbm>>) target(%arg5 : memref<50048xf32, #tpu.memory_space<vmem>>) target_semaphore(%arg11 : memref<!tpu.dma_semaphore, #tpu.memory_space<semaphore_mem>>)
    %dma_start3A_15 = arith.constant 0 : i32
    %dma_start3A_16 = arith.constant 50048 : i32
    %dma_start3A_17 = tpu.memref_slice %arg2[%dma_start3A_15, %add3A, %dma_start3A_16] : memref<26x32x100000xf32, #tpu.memory_space<hbm>> -> memref<1x1x49952xf32, #tpu.memory_space<hbm>>
    %dma_start3A_18 = tpu.memref_squeeze %dma_start3A_17 : memref<1x1x49952xf32, #tpu.memory_space<hbm>> -> memref<49952xf32, #tpu.memory_space<hbm>>
    %dma_start3A_19 = arith.constant 50048 : i32
    %dma_start3A_20 = tpu.memref_slice %arg2[%dma_start3A_15, %add3A, %dma_start3A_19] : memref<26x32x100000xf32, #tpu.memory_space<hbm>> -> memref<1x1x49952xf32, #tpu.memory_space<hbm>>
    %dma_start3A_21 = tpu.memref_squeeze %dma_start3A_20 : memref<1x1x49952xf32, #tpu.memory_space<hbm>> -> memref<49952xf32, #tpu.memory_space<hbm>>
    tpu.enqueue_dma source(%dma_start3A_21 : memref<49952xf32, #tpu.memory_space<hbm>>) target(%arg6 : memref<49952xf32, #tpu.memory_space<vmem>>) target_semaphore(%arg12 : memref<!tpu.dma_semaphore, #tpu.memory_space<semaphore_mem>>)
    %scan3A = arith.constant 0 : i32
    %scan3A_22 = arith.constant 13 : i32
    %scan3A_23 = arith.addi %scan3A, %scan3A_22 : i32
    %scan3A_24 = arith.constant 1 : i32
    scf.for %scan3A_39 = %scan3A to %scan3A_23 step %scan3A_24  : i32 {
      %mul3A_40 = arith.constant 2 : i32
      %mul3A_41 = arith.muli %mul3A_40, %scan3A_39 : i32
      %add3A_42 = arith.constant 0 : i32
      %add3A_43 = arith.addi %mul3A_41, %add3A_42 : i32
      %dma_wait3A_44 = arith.constant 0 : i32
      %dma_wait3A_45 = arith.constant 0 : i32
      %dma_wait3A_46 = tpu.memref_slice %arg3[%add3A_43, %dma_wait3A_44, %dma_wait3A_45] : memref<26x50x4096xi32, #tpu.memory_space<hbm>> -> memref<1x1x4096xi32, #tpu.memory_space<hbm>>
      %dma_wait3A_47 = tpu.memref_squeeze %dma_wait3A_46 : memref<1x1x4096xi32, #tpu.memory_space<hbm>> -> memref<4096xi32, #tpu.memory_space<hbm>>
      %dma_wait3A_48 = arith.constant 0 : i32
      %dma_wait3A_49 = tpu.memref_slice %arg3[%add3A_43, %dma_wait3A_44, %dma_wait3A_48] : memref<26x50x4096xi32, #tpu.memory_space<hbm>> -> memref<1x1x4096xi32, #tpu.memory_space<hbm>>
      %dma_wait3A_50 = tpu.memref_squeeze %dma_wait3A_49 : memref<1x1x4096xi32, #tpu.memory_space<hbm>> -> memref<4096xi32, #tpu.memory_space<hbm>>
      tpu.wait_dma2 semaphore(%arg13 : memref<!tpu.dma_semaphore, #tpu.memory_space<semaphore_mem>>) src(%dma_wait3A_50 : memref<4096xi32, #tpu.memory_space<hbm>>) dst(%arg7 : memref<4096xi32, #tpu.memory_space<vmem>>)
      %lt3A = arith.constant 25 : i32
      %lt3A_51 = arith.cmpi slt, %add3A_43, %lt3A : i32
      %convert_element_type3A = arith.extui %lt3A_51 : i1 to i32
      %cond3A = arith.constant 0 : i32
      %cond3A_52 = arith.cmpi ne, %convert_element_type3A, %cond3A : i32
      scf.if %cond3A_52 {
        %add3A_154 = arith.constant 1 : i32
        %add3A_155 = arith.addi %add3A_43, %add3A_154 : i32
        %dma_start3A_156 = arith.constant 0 : i32
        %dma_start3A_157 = arith.constant 0 : i32
        %dma_start3A_158 = tpu.memref_slice %arg3[%add3A_155, %dma_start3A_156, %dma_start3A_157] : memref<26x50x4096xi32, #tpu.memory_space<hbm>> -> memref<1x1x4096xi32, #tpu.memory_space<hbm>>
        %dma_start3A_159 = tpu.memref_squeeze %dma_start3A_158 : memref<1x1x4096xi32, #tpu.memory_space<hbm>> -> memref<4096xi32, #tpu.memory_space<hbm>>
        %dma_start3A_160 = arith.constant 0 : i32
        %dma_start3A_161 = tpu.memref_slice %arg3[%add3A_155, %dma_start3A_156, %dma_start3A_160] : memref<26x50x4096xi32, #tpu.memory_space<hbm>> -> memref<1x1x4096xi32, #tpu.memory_space<hbm>>
        %dma_start3A_162 = tpu.memref_squeeze %dma_start3A_161 : memref<1x1x4096xi32, #tpu.memory_space<hbm>> -> memref<4096xi32, #tpu.memory_space<hbm>>
        tpu.enqueue_dma source(%dma_start3A_162 : memref<4096xi32, #tpu.memory_space<hbm>>) target(%arg8 : memref<4096xi32, #tpu.memory_space<vmem>>) target_semaphore(%arg13 : memref<!tpu.dma_semaphore, #tpu.memory_space<semaphore_mem>>)
      } else {
      }
      %dma_wait3A_53 = arith.constant 0 : i32
      %dma_wait3A_54 = tpu.memref_slice %arg2[%add3A_43, %add3A, %dma_wait3A_53] : memref<26x32x100000xf32, #tpu.memory_space<hbm>> -> memref<1x1x50048xf32, #tpu.memory_space<hbm>>
      %dma_wait3A_55 = tpu.memref_squeeze %dma_wait3A_54 : memref<1x1x50048xf32, #tpu.memory_space<hbm>> -> memref<50048xf32, #tpu.memory_space<hbm>>
      %dma_wait3A_56 = arith.constant 0 : i32
      %dma_wait3A_57 = tpu.memref_slice %arg2[%add3A_43, %add3A, %dma_wait3A_56] : memref<26x32x100000xf32, #tpu.memory_space<hbm>> -> memref<1x1x50048xf32, #tpu.memory_space<hbm>>
      %dma_wait3A_58 = tpu.memref_squeeze %dma_wait3A_57 : memref<1x1x50048xf32, #tpu.memory_space<hbm>> -> memref<50048xf32, #tpu.memory_space<hbm>>
      tpu.wait_dma2 semaphore(%arg11 : memref<!tpu.dma_semaphore, #tpu.memory_space<semaphore_mem>>) src(%dma_wait3A_58 : memref<50048xf32, #tpu.memory_space<hbm>>) dst(%arg5 : memref<50048xf32, #tpu.memory_space<vmem>>)
      %ge3A = arith.constant 2 : i32
      %ge3A_59 = arith.cmpi sge, %add3A_43, %ge3A : i32
      %convert_element_type3A_60 = arith.extui %ge3A_59 : i1 to i32
      %cond3A_61 = arith.constant 0 : i32
      %cond3A_62 = arith.cmpi ne, %convert_element_type3A_60, %cond3A_61 : i32
      scf.if %cond3A_62 {
        %sub3A = arith.constant 2 : i32
        %sub3A_154 = arith.subi %add3A_43, %sub3A : i32
        %dma_wait3A_155 = arith.constant 0 : i32
        %dma_wait3A_156 = tpu.memref_slice %arg4[%sub3A_154, %add3A, %dma_wait3A_155] : memref<26x32x4096xf32, #tpu.memory_space<hbm>> -> memref<1x1x4096xf32, #tpu.memory_space<hbm>>
        %dma_wait3A_157 = tpu.memref_squeeze %dma_wait3A_156 : memref<1x1x4096xf32, #tpu.memory_space<hbm>> -> memref<4096xf32, #tpu.memory_space<hbm>>
        %dma_wait3A_158 = arith.constant 0 : i32
        %dma_wait3A_159 = tpu.memref_slice %arg4[%sub3A_154, %add3A, %dma_wait3A_158] : memref<26x32x4096xf32, #tpu.memory_space<hbm>> -> memref<1x1x4096xf32, #tpu.memory_space<hbm>>
        %dma_wait3A_160 = tpu.memref_squeeze %dma_wait3A_159 : memref<1x1x4096xf32, #tpu.memory_space<hbm>> -> memref<4096xf32, #tpu.memory_space<hbm>>
        tpu.wait_dma2 semaphore(%arg14 : memref<!tpu.dma_semaphore, #tpu.memory_space<semaphore_mem>>) src(%arg9 : memref<4096xf32, #tpu.memory_space<vmem>>) dst(%dma_wait3A_160 : memref<4096xf32, #tpu.memory_space<hbm>>)
      } else {
      }
      %scan3A_63 = arith.constant 0 : i32
      %scan3A_64 = arith.constant 256 : i32
      %scan3A_65 = arith.addi %scan3A_63, %scan3A_64 : i32
      %scan3A_66 = arith.constant 1 : i32
      scf.for %scan3A_154 = %scan3A_63 to %scan3A_65 step %scan3A_66  : i32 {
        %mul3A_155 = arith.constant 16 : i32
        %mul3A_156 = arith.muli %scan3A_154, %mul3A_155 : i32
        %get3A = arith.index_cast %mul3A_156 : i32 to index
        %get3A_157 = tpu.vector_load %arg7[%get3A] {strides = array<i32>} : memref<4096xi32, #tpu.memory_space<vmem>>, vector<16xi32>,
        %lt3A_158 = arith.constant 50048 : i32
        %lt3A_159 = vector.broadcast %lt3A_158 : i32 to vector<16xi32>
        %lt3A_160 = arith.cmpi slt, %get3A_157, %lt3A_159 : vector<16xi32>
        %gather3A = tpu.vector_load_idx %arg5[%get3A_157] masked %lt3A_160 : memref<50048xf32, #tpu.memory_space<vmem>>[vector<16xi32>], vector<16xf32>, vector<16xi1>
        %swap3A = arith.index_cast %mul3A_156 : i32 to index
        %swap3A_161 = tpu.vector_load %arg9[%swap3A] {strides = array<i32>} : memref<4096xf32, #tpu.memory_space<vmem>>, vector<16xf32>,
        tpu.vector_store %arg9[%swap3A], %gather3A {strides = array<i32>} : memref<4096xf32, #tpu.memory_space<vmem>>, vector<16xf32>,
      }
      %scan3A_67 = arith.constant 256 : i32
      %lt3A_68 = arith.constant 25 : i32
      %lt3A_69 = arith.cmpi slt, %add3A_43, %lt3A_68 : i32
      %convert_element_type3A_70 = arith.extui %lt3A_69 : i1 to i32
      %cond3A_71 = arith.constant 0 : i32
      %cond3A_72 = arith.cmpi ne, %convert_element_type3A_70, %cond3A_71 : i32
      scf.if %cond3A_72 {
        %add3A_154 = arith.constant 1 : i32
        %add3A_155 = arith.addi %add3A_43, %add3A_154 : i32
        %dma_start3A_156 = arith.constant 0 : i32
        %dma_start3A_157 = tpu.memref_slice %arg2[%add3A_155, %add3A, %dma_start3A_156] : memref<26x32x100000xf32, #tpu.memory_space<hbm>> -> memref<1x1x50048xf32, #tpu.memory_space<hbm>>
        %dma_start3A_158 = tpu.memref_squeeze %dma_start3A_157 : memref<1x1x50048xf32, #tpu.memory_space<hbm>> -> memref<50048xf32, #tpu.memory_space<hbm>>
        %dma_start3A_159 = arith.constant 0 : i32
        %dma_start3A_160 = tpu.memref_slice %arg2[%add3A_155, %add3A, %dma_start3A_159] : memref<26x32x100000xf32, #tpu.memory_space<hbm>> -> memref<1x1x50048xf32, #tpu.memory_space<hbm>>
        %dma_start3A_161 = tpu.memref_squeeze %dma_start3A_160 : memref<1x1x50048xf32, #tpu.memory_space<hbm>> -> memref<50048xf32, #tpu.memory_space<hbm>>
        tpu.enqueue_dma source(%dma_start3A_161 : memref<50048xf32, #tpu.memory_space<hbm>>) target(%arg5 : memref<50048xf32, #tpu.memory_space<vmem>>) target_semaphore(%arg11 : memref<!tpu.dma_semaphore, #tpu.memory_space<semaphore_mem>>)
      } else {
      }
      %dma_wait3A_73 = arith.constant 50048 : i32
      %dma_wait3A_74 = tpu.memref_slice %arg2[%add3A_43, %add3A, %dma_wait3A_73] : memref<26x32x100000xf32, #tpu.memory_space<hbm>> -> memref<1x1x49952xf32, #tpu.memory_space<hbm>>
      %dma_wait3A_75 = tpu.memref_squeeze %dma_wait3A_74 : memref<1x1x49952xf32, #tpu.memory_space<hbm>> -> memref<49952xf32, #tpu.memory_space<hbm>>
      %dma_wait3A_76 = arith.constant 50048 : i32
      %dma_wait3A_77 = tpu.memref_slice %arg2[%add3A_43, %add3A, %dma_wait3A_76] : memref<26x32x100000xf32, #tpu.memory_space<hbm>> -> memref<1x1x49952xf32, #tpu.memory_space<hbm>>
      %dma_wait3A_78 = tpu.memref_squeeze %dma_wait3A_77 : memref<1x1x49952xf32, #tpu.memory_space<hbm>> -> memref<49952xf32, #tpu.memory_space<hbm>>
      tpu.wait_dma2 semaphore(%arg12 : memref<!tpu.dma_semaphore, #tpu.memory_space<semaphore_mem>>) src(%dma_wait3A_78 : memref<49952xf32, #tpu.memory_space<hbm>>) dst(%arg6 : memref<49952xf32, #tpu.memory_space<vmem>>)
      %scan3A_79 = arith.constant 0 : i32
      %scan3A_80 = arith.constant 256 : i32
      %scan3A_81 = arith.addi %scan3A_79, %scan3A_80 : i32
      %scan3A_82 = arith.constant 1 : i32
      scf.for %scan3A_154 = %scan3A_79 to %scan3A_81 step %scan3A_82  : i32 {
        %mul3A_155 = arith.constant 16 : i32
        %mul3A_156 = arith.muli %scan3A_154, %mul3A_155 : i32
        %get3A = arith.index_cast %mul3A_156 : i32 to index
        %get3A_157 = tpu.vector_load %arg7[%get3A] {strides = array<i32>} : memref<4096xi32, #tpu.memory_space<vmem>>, vector<16xi32>,
        %ge3A_158 = arith.constant 50048 : i32
        %ge3A_159 = vector.broadcast %ge3A_158 : i32 to vector<16xi32>
        %ge3A_160 = arith.cmpi sge, %get3A_157, %ge3A_159 : vector<16xi32>
        %sub3A = arith.constant 50048 : i32
        %sub3A_161 = vector.broadcast %sub3A : i32 to vector<16xi32>
        %sub3A_162 = arith.subi %get3A_157, %sub3A_161 : vector<16xi32>
        %gather3A = tpu.vector_load_idx %arg6[%sub3A_162] masked %ge3A_160 : memref<49952xf32, #tpu.memory_space<vmem>>[vector<16xi32>], vector<16xf32>, vector<16xi1>
        %get3A_163 = arith.index_cast %mul3A_156 : i32 to index
        %get3A_164 = tpu.vector_load %arg9[%get3A_163] {strides = array<i32>} : memref<4096xf32, #tpu.memory_space<vmem>>, vector<16xf32>,
        %select_n3A = arith.select %ge3A_160, %gather3A, %get3A_164 : vector<16xi1>, vector<16xf32>
        %swap3A = arith.index_cast %mul3A_156 : i32 to index
        %swap3A_165 = tpu.vector_load %arg9[%swap3A] {strides = array<i32>} : memref<4096xf32, #tpu.memory_space<vmem>>, vector<16xf32>,
        tpu.vector_store %arg9[%swap3A], %select_n3A {strides = array<i32>} : memref<4096xf32, #tpu.memory_space<vmem>>, vector<16xf32>,
      }
      %scan3A_83 = arith.constant 256 : i32
      %lt3A_84 = arith.constant 25 : i32
      %lt3A_85 = arith.cmpi slt, %add3A_43, %lt3A_84 : i32
      %convert_element_type3A_86 = arith.extui %lt3A_85 : i1 to i32
      %cond3A_87 = arith.constant 0 : i32
      %cond3A_88 = arith.cmpi ne, %convert_element_type3A_86, %cond3A_87 : i32
      scf.if %cond3A_88 {
        %add3A_154 = arith.constant 1 : i32
        %add3A_155 = arith.addi %add3A_43, %add3A_154 : i32
        %dma_start3A_156 = arith.constant 50048 : i32
        %dma_start3A_157 = tpu.memref_slice %arg2[%add3A_155, %add3A, %dma_start3A_156] : memref<26x32x100000xf32, #tpu.memory_space<hbm>> -> memref<1x1x49952xf32, #tpu.memory_space<hbm>>
        %dma_start3A_158 = tpu.memref_squeeze %dma_start3A_157 : memref<1x1x49952xf32, #tpu.memory_space<hbm>> -> memref<49952xf32, #tpu.memory_space<hbm>>
        %dma_start3A_159 = arith.constant 50048 : i32
        %dma_start3A_160 = tpu.memref_slice %arg2[%add3A_155, %add3A, %dma_start3A_159] : memref<26x32x100000xf32, #tpu.memory_space<hbm>> -> memref<1x1x49952xf32, #tpu.memory_space<hbm>>
        %dma_start3A_161 = tpu.memref_squeeze %dma_start3A_160 : memref<1x1x49952xf32, #tpu.memory_space<hbm>> -> memref<49952xf32, #tpu.memory_space<hbm>>
        tpu.enqueue_dma source(%dma_start3A_161 : memref<49952xf32, #tpu.memory_space<hbm>>) target(%arg6 : memref<49952xf32, #tpu.memory_space<vmem>>) target_semaphore(%arg12 : memref<!tpu.dma_semaphore, #tpu.memory_space<semaphore_mem>>)
      } else {
      }
      %dma_start3A_89 = arith.constant 0 : i32
      %dma_start3A_90 = tpu.memref_slice %arg4[%add3A_43, %add3A, %dma_start3A_89] : memref<26x32x4096xf32, #tpu.memory_space<hbm>> -> memref<1x1x4096xf32, #tpu.memory_space<hbm>>
      %dma_start3A_91 = tpu.memref_squeeze %dma_start3A_90 : memref<1x1x4096xf32, #tpu.memory_space<hbm>> -> memref<4096xf32, #tpu.memory_space<hbm>>
      %dma_start3A_92 = arith.constant 0 : i32
      %dma_start3A_93 = tpu.memref_slice %arg4[%add3A_43, %add3A, %dma_start3A_92] : memref<26x32x4096xf32, #tpu.memory_space<hbm>> -> memref<1x1x4096xf32, #tpu.memory_space<hbm>>
      %dma_start3A_94 = tpu.memref_squeeze %dma_start3A_93 : memref<1x1x4096xf32, #tpu.memory_space<hbm>> -> memref<4096xf32, #tpu.memory_space<hbm>>
      tpu.enqueue_dma source(%arg9 : memref<4096xf32, #tpu.memory_space<vmem>>) target(%dma_start3A_94 : memref<4096xf32, #tpu.memory_space<hbm>>) target_semaphore(%arg14 : memref<!tpu.dma_semaphore, #tpu.memory_space<semaphore_mem>>)
      %mul3A_95 = arith.constant 2 : i32
      %mul3A_96 = arith.muli %mul3A_95, %scan3A_39 : i32
      %add3A_97 = arith.constant 1 : i32
      %add3A_98 = arith.addi %mul3A_96, %add3A_97 : i32
      %dma_wait3A_99 = arith.constant 0 : i32
      %dma_wait3A_100 = arith.constant 0 : i32
      %dma_wait3A_101 = tpu.memref_slice %arg3[%add3A_98, %dma_wait3A_99, %dma_wait3A_100] : memref<26x50x4096xi32, #tpu.memory_space<hbm>> -> memref<1x1x4096xi32, #tpu.memory_space<hbm>>
      %dma_wait3A_102 = tpu.memref_squeeze %dma_wait3A_101 : memref<1x1x4096xi32, #tpu.memory_space<hbm>> -> memref<4096xi32, #tpu.memory_space<hbm>>
      %dma_wait3A_103 = arith.constant 0 : i32
      %dma_wait3A_104 = tpu.memref_slice %arg3[%add3A_98, %dma_wait3A_99, %dma_wait3A_103] : memref<26x50x4096xi32, #tpu.memory_space<hbm>> -> memref<1x1x4096xi32, #tpu.memory_space<hbm>>
      %dma_wait3A_105 = tpu.memref_squeeze %dma_wait3A_104 : memref<1x1x4096xi32, #tpu.memory_space<hbm>> -> memref<4096xi32, #tpu.memory_space<hbm>>
      tpu.wait_dma2 semaphore(%arg13 : memref<!tpu.dma_semaphore, #tpu.memory_space<semaphore_mem>>) src(%dma_wait3A_105 : memref<4096xi32, #tpu.memory_space<hbm>>) dst(%arg8 : memref<4096xi32, #tpu.memory_space<vmem>>)
      %lt3A_106 = arith.constant 25 : i32
      %lt3A_107 = arith.cmpi slt, %add3A_98, %lt3A_106 : i32
      %convert_element_type3A_108 = arith.extui %lt3A_107 : i1 to i32
      %cond3A_109 = arith.constant 0 : i32
      %cond3A_110 = arith.cmpi ne, %convert_element_type3A_108, %cond3A_109 : i32
      scf.if %cond3A_110 {
        %add3A_154 = arith.constant 1 : i32
        %add3A_155 = arith.addi %add3A_98, %add3A_154 : i32
        %dma_start3A_156 = arith.constant 0 : i32
        %dma_start3A_157 = arith.constant 0 : i32
        %dma_start3A_158 = tpu.memref_slice %arg3[%add3A_155, %dma_start3A_156, %dma_start3A_157] : memref<26x50x4096xi32, #tpu.memory_space<hbm>> -> memref<1x1x4096xi32, #tpu.memory_space<hbm>>
        %dma_start3A_159 = tpu.memref_squeeze %dma_start3A_158 : memref<1x1x4096xi32, #tpu.memory_space<hbm>> -> memref<4096xi32, #tpu.memory_space<hbm>>
        %dma_start3A_160 = arith.constant 0 : i32
        %dma_start3A_161 = tpu.memref_slice %arg3[%add3A_155, %dma_start3A_156, %dma_start3A_160] : memref<26x50x4096xi32, #tpu.memory_space<hbm>> -> memref<1x1x4096xi32, #tpu.memory_space<hbm>>
        %dma_start3A_162 = tpu.memref_squeeze %dma_start3A_161 : memref<1x1x4096xi32, #tpu.memory_space<hbm>> -> memref<4096xi32, #tpu.memory_space<hbm>>
        tpu.enqueue_dma source(%dma_start3A_162 : memref<4096xi32, #tpu.memory_space<hbm>>) target(%arg7 : memref<4096xi32, #tpu.memory_space<vmem>>) target_semaphore(%arg13 : memref<!tpu.dma_semaphore, #tpu.memory_space<semaphore_mem>>)
      } else {
      }
      %dma_wait3A_111 = arith.constant 0 : i32
      %dma_wait3A_112 = tpu.memref_slice %arg2[%add3A_98, %add3A, %dma_wait3A_111] : memref<26x32x100000xf32, #tpu.memory_space<hbm>> -> memref<1x1x50048xf32, #tpu.memory_space<hbm>>
      %dma_wait3A_113 = tpu.memref_squeeze %dma_wait3A_112 : memref<1x1x50048xf32, #tpu.memory_space<hbm>> -> memref<50048xf32, #tpu.memory_space<hbm>>
      %dma_wait3A_114 = arith.constant 0 : i32
      %dma_wait3A_115 = tpu.memref_slice %arg2[%add3A_98, %add3A, %dma_wait3A_114] : memref<26x32x100000xf32, #tpu.memory_space<hbm>> -> memref<1x1x50048xf32, #tpu.memory_space<hbm>>
      %dma_wait3A_116 = tpu.memref_squeeze %dma_wait3A_115 : memref<1x1x50048xf32, #tpu.memory_space<hbm>> -> memref<50048xf32, #tpu.memory_space<hbm>>
      tpu.wait_dma2 semaphore(%arg11 : memref<!tpu.dma_semaphore, #tpu.memory_space<semaphore_mem>>) src(%dma_wait3A_116 : memref<50048xf32, #tpu.memory_space<hbm>>) dst(%arg5 : memref<50048xf32, #tpu.memory_space<vmem>>)
      %ge3A_117 = arith.constant 2 : i32
      %ge3A_118 = arith.cmpi sge, %add3A_98, %ge3A_117 : i32
      %convert_element_type3A_119 = arith.extui %ge3A_118 : i1 to i32
      %cond3A_120 = arith.constant 0 : i32
      %cond3A_121 = arith.cmpi ne, %convert_element_type3A_119, %cond3A_120 : i32
      scf.if %cond3A_121 {
        %sub3A = arith.constant 2 : i32
        %sub3A_154 = arith.subi %add3A_98, %sub3A : i32
        %dma_wait3A_155 = arith.constant 0 : i32
        %dma_wait3A_156 = tpu.memref_slice %arg4[%sub3A_154, %add3A, %dma_wait3A_155] : memref<26x32x4096xf32, #tpu.memory_space<hbm>> -> memref<1x1x4096xf32, #tpu.memory_space<hbm>>
        %dma_wait3A_157 = tpu.memref_squeeze %dma_wait3A_156 : memref<1x1x4096xf32, #tpu.memory_space<hbm>> -> memref<4096xf32, #tpu.memory_space<hbm>>
        %dma_wait3A_158 = arith.constant 0 : i32
        %dma_wait3A_159 = tpu.memref_slice %arg4[%sub3A_154, %add3A, %dma_wait3A_158] : memref<26x32x4096xf32, #tpu.memory_space<hbm>> -> memref<1x1x4096xf32, #tpu.memory_space<hbm>>
        %dma_wait3A_160 = tpu.memref_squeeze %dma_wait3A_159 : memref<1x1x4096xf32, #tpu.memory_space<hbm>> -> memref<4096xf32, #tpu.memory_space<hbm>>
        tpu.wait_dma2 semaphore(%arg15 : memref<!tpu.dma_semaphore, #tpu.memory_space<semaphore_mem>>) src(%arg10 : memref<4096xf32, #tpu.memory_space<vmem>>) dst(%dma_wait3A_160 : memref<4096xf32, #tpu.memory_space<hbm>>)
      } else {
      }
      %scan3A_122 = arith.constant 0 : i32
      %scan3A_123 = arith.constant 256 : i32
      %scan3A_124 = arith.addi %scan3A_122, %scan3A_123 : i32
      %scan3A_125 = arith.constant 1 : i32
      scf.for %scan3A_154 = %scan3A_122 to %scan3A_124 step %scan3A_125  : i32 {
        %mul3A_155 = arith.constant 16 : i32
        %mul3A_156 = arith.muli %scan3A_154, %mul3A_155 : i32
        %get3A = arith.index_cast %mul3A_156 : i32 to index
        %get3A_157 = tpu.vector_load %arg8[%get3A] {strides = array<i32>} : memref<4096xi32, #tpu.memory_space<vmem>>, vector<16xi32>,
        %lt3A_158 = arith.constant 50048 : i32
        %lt3A_159 = vector.broadcast %lt3A_158 : i32 to vector<16xi32>
        %lt3A_160 = arith.cmpi slt, %get3A_157, %lt3A_159 : vector<16xi32>
        %gather3A = tpu.vector_load_idx %arg5[%get3A_157] masked %lt3A_160 : memref<50048xf32, #tpu.memory_space<vmem>>[vector<16xi32>], vector<16xf32>, vector<16xi1>
        %swap3A = arith.index_cast %mul3A_156 : i32 to index
        %swap3A_161 = tpu.vector_load %arg10[%swap3A] {strides = array<i32>} : memref<4096xf32, #tpu.memory_space<vmem>>, vector<16xf32>,
        tpu.vector_store %arg10[%swap3A], %gather3A {strides = array<i32>} : memref<4096xf32, #tpu.memory_space<vmem>>, vector<16xf32>,
      }
      %scan3A_126 = arith.constant 256 : i32
      %lt3A_127 = arith.constant 25 : i32
      %lt3A_128 = arith.cmpi slt, %add3A_98, %lt3A_127 : i32
      %convert_element_type3A_129 = arith.extui %lt3A_128 : i1 to i32
      %cond3A_130 = arith.constant 0 : i32
      %cond3A_131 = arith.cmpi ne, %convert_element_type3A_129, %cond3A_130 : i32
      scf.if %cond3A_131 {
        %add3A_154 = arith.constant 1 : i32
        %add3A_155 = arith.addi %add3A_98, %add3A_154 : i32
        %dma_start3A_156 = arith.constant 0 : i32
        %dma_start3A_157 = tpu.memref_slice %arg2[%add3A_155, %add3A, %dma_start3A_156] : memref<26x32x100000xf32, #tpu.memory_space<hbm>> -> memref<1x1x50048xf32, #tpu.memory_space<hbm>>
        %dma_start3A_158 = tpu.memref_squeeze %dma_start3A_157 : memref<1x1x50048xf32, #tpu.memory_space<hbm>> -> memref<50048xf32, #tpu.memory_space<hbm>>
        %dma_start3A_159 = arith.constant 0 : i32
        %dma_start3A_160 = tpu.memref_slice %arg2[%add3A_155, %add3A, %dma_start3A_159] : memref<26x32x100000xf32, #tpu.memory_space<hbm>> -> memref<1x1x50048xf32, #tpu.memory_space<hbm>>
        %dma_start3A_161 = tpu.memref_squeeze %dma_start3A_160 : memref<1x1x50048xf32, #tpu.memory_space<hbm>> -> memref<50048xf32, #tpu.memory_space<hbm>>
        tpu.enqueue_dma source(%dma_start3A_161 : memref<50048xf32, #tpu.memory_space<hbm>>) target(%arg5 : memref<50048xf32, #tpu.memory_space<vmem>>) target_semaphore(%arg11 : memref<!tpu.dma_semaphore, #tpu.memory_space<semaphore_mem>>)
      } else {
      }
      %dma_wait3A_132 = arith.constant 50048 : i32
      %dma_wait3A_133 = tpu.memref_slice %arg2[%add3A_98, %add3A, %dma_wait3A_132] : memref<26x32x100000xf32, #tpu.memory_space<hbm>> -> memref<1x1x49952xf32, #tpu.memory_space<hbm>>
      %dma_wait3A_134 = tpu.memref_squeeze %dma_wait3A_133 : memref<1x1x49952xf32, #tpu.memory_space<hbm>> -> memref<49952xf32, #tpu.memory_space<hbm>>
      %dma_wait3A_135 = arith.constant 50048 : i32
      %dma_wait3A_136 = tpu.memref_slice %arg2[%add3A_98, %add3A, %dma_wait3A_135] : memref<26x32x100000xf32, #tpu.memory_space<hbm>> -> memref<1x1x49952xf32, #tpu.memory_space<hbm>>
      %dma_wait3A_137 = tpu.memref_squeeze %dma_wait3A_136 : memref<1x1x49952xf32, #tpu.memory_space<hbm>> -> memref<49952xf32, #tpu.memory_space<hbm>>
      tpu.wait_dma2 semaphore(%arg12 : memref<!tpu.dma_semaphore, #tpu.memory_space<semaphore_mem>>) src(%dma_wait3A_137 : memref<49952xf32, #tpu.memory_space<hbm>>) dst(%arg6 : memref<49952xf32, #tpu.memory_space<vmem>>)
      %scan3A_138 = arith.constant 0 : i32
      %scan3A_139 = arith.constant 256 : i32
      %scan3A_140 = arith.addi %scan3A_138, %scan3A_139 : i32
      %scan3A_141 = arith.constant 1 : i32
      scf.for %scan3A_154 = %scan3A_138 to %scan3A_140 step %scan3A_141  : i32 {
        %mul3A_155 = arith.constant 16 : i32
        %mul3A_156 = arith.muli %scan3A_154, %mul3A_155 : i32
        %get3A = arith.index_cast %mul3A_156 : i32 to index
        %get3A_157 = tpu.vector_load %arg8[%get3A] {strides = array<i32>} : memref<4096xi32, #tpu.memory_space<vmem>>, vector<16xi32>,
        %ge3A_158 = arith.constant 50048 : i32
        %ge3A_159 = vector.broadcast %ge3A_158 : i32 to vector<16xi32>
        %ge3A_160 = arith.cmpi sge, %get3A_157, %ge3A_159 : vector<16xi32>
        %sub3A = arith.constant 50048 : i32
        %sub3A_161 = vector.broadcast %sub3A : i32 to vector<16xi32>
        %sub3A_162 = arith.subi %get3A_157, %sub3A_161 : vector<16xi32>
        %gather3A = tpu.vector_load_idx %arg6[%sub3A_162] masked %ge3A_160 : memref<49952xf32, #tpu.memory_space<vmem>>[vector<16xi32>], vector<16xf32>, vector<16xi1>
        %get3A_163 = arith.index_cast %mul3A_156 : i32 to index
        %get3A_164 = tpu.vector_load %arg10[%get3A_163] {strides = array<i32>} : memref<4096xf32, #tpu.memory_space<vmem>>, vector<16xf32>,
        %select_n3A = arith.select %ge3A_160, %gather3A, %get3A_164 : vector<16xi1>, vector<16xf32>
        %swap3A = arith.index_cast %mul3A_156 : i32 to index
        %swap3A_165 = tpu.vector_load %arg10[%swap3A] {strides = array<i32>} : memref<4096xf32, #tpu.memory_space<vmem>>, vector<16xf32>,
        tpu.vector_store %arg10[%swap3A], %select_n3A {strides = array<i32>} : memref<4096xf32, #tpu.memory_space<vmem>>, vector<16xf32>,
      }
      %scan3A_142 = arith.constant 256 : i32
      %lt3A_143 = arith.constant 25 : i32
      %lt3A_144 = arith.cmpi slt, %add3A_98, %lt3A_143 : i32
      %convert_element_type3A_145 = arith.extui %lt3A_144 : i1 to i32
      %cond3A_146 = arith.constant 0 : i32
      %cond3A_147 = arith.cmpi ne, %convert_element_type3A_145, %cond3A_146 : i32
      scf.if %cond3A_147 {
        %add3A_154 = arith.constant 1 : i32
        %add3A_155 = arith.addi %add3A_98, %add3A_154 : i32
        %dma_start3A_156 = arith.constant 50048 : i32
        %dma_start3A_157 = tpu.memref_slice %arg2[%add3A_155, %add3A, %dma_start3A_156] : memref<26x32x100000xf32, #tpu.memory_space<hbm>> -> memref<1x1x49952xf32, #tpu.memory_space<hbm>>
        %dma_start3A_158 = tpu.memref_squeeze %dma_start3A_157 : memref<1x1x49952xf32, #tpu.memory_space<hbm>> -> memref<49952xf32, #tpu.memory_space<hbm>>
        %dma_start3A_159 = arith.constant 50048 : i32
        %dma_start3A_160 = tpu.memref_slice %arg2[%add3A_155, %add3A, %dma_start3A_159] : memref<26x32x100000xf32, #tpu.memory_space<hbm>> -> memref<1x1x49952xf32, #tpu.memory_space<hbm>>
        %dma_start3A_161 = tpu.memref_squeeze %dma_start3A_160 : memref<1x1x49952xf32, #tpu.memory_space<hbm>> -> memref<49952xf32, #tpu.memory_space<hbm>>
        tpu.enqueue_dma source(%dma_start3A_161 : memref<49952xf32, #tpu.memory_space<hbm>>) target(%arg6 : memref<49952xf32, #tpu.memory_space<vmem>>) target_semaphore(%arg12 : memref<!tpu.dma_semaphore, #tpu.memory_space<semaphore_mem>>)
      } else {
      }
      %dma_start3A_148 = arith.constant 0 : i32
      %dma_start3A_149 = tpu.memref_slice %arg4[%add3A_98, %add3A, %dma_start3A_148] : memref<26x32x4096xf32, #tpu.memory_space<hbm>> -> memref<1x1x4096xf32, #tpu.memory_space<hbm>>
      %dma_start3A_150 = tpu.memref_squeeze %dma_start3A_149 : memref<1x1x4096xf32, #tpu.memory_space<hbm>> -> memref<4096xf32, #tpu.memory_space<hbm>>
      %dma_start3A_151 = arith.constant 0 : i32
      %dma_start3A_152 = tpu.memref_slice %arg4[%add3A_98, %add3A, %dma_start3A_151] : memref<26x32x4096xf32, #tpu.memory_space<hbm>> -> memref<1x1x4096xf32, #tpu.memory_space<hbm>>
      %dma_start3A_153 = tpu.memref_squeeze %dma_start3A_152 : memref<1x1x4096xf32, #tpu.memory_space<hbm>> -> memref<4096xf32, #tpu.memory_space<hbm>>
      tpu.enqueue_dma source(%arg10 : memref<4096xf32, #tpu.memory_space<vmem>>) target(%dma_start3A_153 : memref<4096xf32, #tpu.memory_space<hbm>>) target_semaphore(%arg15 : memref<!tpu.dma_semaphore, #tpu.memory_space<semaphore_mem>>)
    }
    %scan3A_25 = arith.constant 13 : i32
    %dma_wait3A = arith.constant 24 : i32
    %dma_wait3A_26 = arith.constant 0 : i32
    %dma_wait3A_27 = tpu.memref_slice %arg4[%dma_wait3A, %add3A, %dma_wait3A_26] : memref<26x32x4096xf32, #tpu.memory_space<hbm>> -> memref<1x1x4096xf32, #tpu.memory_space<hbm>>
    %dma_wait3A_28 = tpu.memref_squeeze %dma_wait3A_27 : memref<1x1x4096xf32, #tpu.memory_space<hbm>> -> memref<4096xf32, #tpu.memory_space<hbm>>
    %dma_wait3A_29 = arith.constant 0 : i32
    %dma_wait3A_30 = tpu.memref_slice %arg4[%dma_wait3A, %add3A, %dma_wait3A_29] : memref<26x32x4096xf32, #tpu.memory_space<hbm>> -> memref<1x1x4096xf32, #tpu.memory_space<hbm>>
    %dma_wait3A_31 = tpu.memref_squeeze %dma_wait3A_30 : memref<1x1x4096xf32, #tpu.memory_space<hbm>> -> memref<4096xf32, #tpu.memory_space<hbm>>
    tpu.wait_dma2 semaphore(%arg14 : memref<!tpu.dma_semaphore, #tpu.memory_space<semaphore_mem>>) src(%arg9 : memref<4096xf32, #tpu.memory_space<vmem>>) dst(%dma_wait3A_31 : memref<4096xf32, #tpu.memory_space<hbm>>)
    %dma_wait3A_32 = arith.constant 25 : i32
    %dma_wait3A_33 = arith.constant 0 : i32
    %dma_wait3A_34 = tpu.memref_slice %arg4[%dma_wait3A_32, %add3A, %dma_wait3A_33] : memref<26x32x4096xf32, #tpu.memory_space<hbm>> -> memref<1x1x4096xf32, #tpu.memory_space<hbm>>
    %dma_wait3A_35 = tpu.memref_squeeze %dma_wait3A_34 : memref<1x1x4096xf32, #tpu.memory_space<hbm>> -> memref<4096xf32, #tpu.memory_space<hbm>>
    %dma_wait3A_36 = arith.constant 0 : i32
    %dma_wait3A_37 = tpu.memref_slice %arg4[%dma_wait3A_32, %add3A, %dma_wait3A_36] : memref<26x32x4096xf32, #tpu.memory_space<hbm>> -> memref<1x1x4096xf32, #tpu.memory_space<hbm>>
    %dma_wait3A_38 = tpu.memref_squeeze %dma_wait3A_37 : memref<1x1x4096xf32, #tpu.memory_space<hbm>> -> memref<4096xf32, #tpu.memory_space<hbm>>
    tpu.wait_dma2 semaphore(%arg15 : memref<!tpu.dma_semaphore, #tpu.memory_space<semaphore_mem>>) src(%arg10 : memref<4096xf32, #tpu.memory_space<vmem>>) dst(%dma_wait3A_38 : memref<4096xf32, #tpu.memory_space<hbm>>)
    return
  }
}

</mosaic_0001>

<sc_bundles>
// kernel: kernel.3.cloned.1.call-start
scs
__scs_entry_jumppad:
0x0: {  	(pc) =	sbr.rel $0x88, $3  }
0x1: {  	(tag) =	ssettag $0x0;
	lr =	simm.s32 $0x1  }
0x2: {  	[smem:$0x3F9F] =	sst lr;
	_ =	strace $0xD0000000  }
0x3: {  	_ = 	snop  }
0x4: {  	_ = 	snop  }
0x5: {  	_ = 	snop  }
0x6: {  	_ = 	snop  }
0x7: {  	_ = 	snop  }
__scs_overlays_trampoline_lowered:
0x8: {  	[smem:$0x3FAE] =	sst s0  }
0x9: {  	[smem:$0x3FAF] =	sst s1  }
0xa: {  	[smem:$0x3FB0] =	sst s2  }
0xb: {  	[smem:$0x3FB1] =	sst s3  }
0xc: {  	[smem:$0x3FB2] =	sst s4  }
0xd: {  	[smem:$0x3FB3] =	sst s5  }
0xe: {  	[smem:$0x3FB4] =	sst s6  }
0xf: {  	[smem:$0x3FB5] =	sst s7  }
0x10: {  	[smem:$0x3FB6] =	sst s8  }
0x11: {  	[smem:$0x3FB7] =	sst s9;
	s0 =	simm.s32 @!p0 $0x0  }
0x12: {  	s1 =	sld [smem:$0x3F9D];
	s0 =	simm.s32 @p0 $0x1  }
0x13: {  	[smem:$0x3FB8] =	sst s0;
	s0 =	simm.s32 @!p1 $0x0  }
0x14: {  	s2 =	sld [smem:$0x3F9C];
	s0 =	simm.s32 @p1 $0x1  }
0x15: {  	[smem:$0x3FB9] =	sst s0;
	s0 =	simm.s32 @!p2 $0x0  }
0x16: {  	s3 =	sld [smem:$0x3FDB];
	s0 =	simm.s32 @p2 $0x1  }
0x17: {  	s4 =	simm.s32 $0x1BF5;
	[smem:$0x3FBB] =	sst s0  }
0x18: {  	s0 =	sld [smem:$0x3F9E];
	_ =	swait.ge [sflag:s4], $0x0  }
0x19: {  	s7 =	sld [smem:$0x3F9F]  }
0x1a: {  	s8 =	sadd.s32 $0xFFFFE003, lr  }
0x1b: {  	s9 =	sadd.s32 $0xFFFFFEF7, lr;
	s5 =	simm.s32 $0xFFFFFFFF;
	p2 =	slt.u32 s8, $0xFFFFF086  }
0x1c: {  	p1 =	slt.u32 s9, $0xF7A;
	s5 =	simm.s32 @!p2 $0x0  }
0x1d: {  	s5 =	simm.s32 @p1 $0x1;
	p0 =	seq.s32 s7, s2  }
0x1e: {  	s7 =	smul.u32 @!p0 $0xF7A, s2;
	p2 =	seq.s32 @!p0 s5, $0x0  }
0x1f: {  	s9 =	smul.u32 $0xF7A, s1;
	s8 =	simm.s32 @!p0 $0x1BF5;
	p2 =	por !p2, p0  }
0x20: {  	[sflag:s8] =	ssyncset.s32 @!p0 $0xFFFFF086;
	s6 =	sadd.s32 @!p0 s3, s7;
	s7 =	simm.s32 @!p0 $0x108  }
0x21: {  	s3 =	sadd.s32 s3, s9;
	s6 =	sadd.s32 @!p0 $0x88, s6;
	s7 =	simm.s32 @p2 $0x1082  }
0x22: {  	[simem:s7], [sflag:s8] =	dma.local @!p0 [hbm:s6], $0xF7A  }
0x23: {  	s9 =	sor.u32 $0xD0000000, s2;
	s6 =	simm.s32 $0x108;
	_ =	swait.ge @!p0 [sflag:s8], $0x0  }
0x24: {  	s3 =	sadd.s32 $0x88, s3;
	s6 =	simm.s32 @!p1 $0x1082;
	[sflag:s4] =	ssyncset.s32 $0xFFFFF086  }
0x25: {  	[simem:s6], [sflag:s4] =	dma.local [hbm:s3], $0xF7A  }
0x26: {  	[smem:$0x3F9F] =	sst s1;
	(tag) =	ssettag s2;
	_ =	strace s9  }
0x27: {  	s1 =	sld [smem:$0x3FAF]  }
0x28: {  	s2 =	sld [smem:$0x3FB0]  }
0x29: {  	s4 =	sld [smem:$0x3FB2]  }
0x2a: {  	p0 =	seq.s32 s5, $0x0;
	s5 =	sld [smem:$0x3FB3]  }
0x2b: {  	s6 =	sld [smem:$0x3FB4]  }
0x2c: {  	s7 =	sld [smem:$0x3FB5]  }
0x2d: {  	s3 =	simm.s32 $0x108;
	s8 =	sld [smem:$0x3FB6]  }
0x2e: {  	s3 =	simm.s32 @!p0 $0x1082;
	s9 =	sld [smem:$0x3FB7]  }
0x2f: {  	lr =	sadd.s32 s0, s3;
	s0 =	sld [smem:$0x3FAE]  }
0x30: {  	s3 =	sld [smem:$0x3FB1]  }
0x31: {  	[smem:$0x3FBA] =	sst s10  }
0x32: {  	s10 =	sld [smem:$0x3FB8];
	_ =	sdelay $0x3  }
0x33: {  	p0 =	seq.s32 s10, $0x1;
	s10 =	sld [smem:$0x3FBA];
	_ =	sdelay $0x3  }
0x34: {  	[smem:$0x3FBA] =	sst s10  }
0x35: {  	s10 =	sld [smem:$0x3FB9];
	_ =	sdelay $0x3  }
0x36: {  	p1 =	seq.s32 s10, $0x1;
	s10 =	sld [smem:$0x3FBA];
	_ =	sdelay $0x3  }
0x37: {  	[smem:$0x3FBA] =	sst s10  }
0x38: {  	s10 =	sld [smem:$0x3FBB]  }
0x39: {  	_ = 	snop;
	(pc) =	sbr.ind lr, $3  }
0x3a: {  	_ = 	snop  }
0x3b: {  	_ = 	snop  }
0x3c: {  	p2 =	seq.s32 s10, $0x1;
	s10 =	sld [smem:$0x3FBA]  }
0x3d: {  	_ =	shalt  }
0x3e: {  	_ =	shalt  }
0x3f: {  	_ =	shalt  }
0x40: {  	_ =	shalt  }
0x41: {  	_ =	shalt  }
0x42: {  	_ =	shalt  }
0x43: {  	_ =	shalt  }
0x44: {  	_ =	shalt  }
0x45: {  	_ =	shalt  }
0x46: {  	_ =	shalt  }
0x47: {  	_ =	shalt  }
0x48: {  	_ =	shalt  }
0x49: {  	_ =	shalt  }
0x4a: {  	_ =	shalt  }
0x4b: {  	_ =	shalt  }
0x4c: {  	_ =	shalt  }
0x4d: {  	_ =	shalt  }
0x4e: {  	_ =	shalt  }
0x4f: {  	_ =	shalt  }
0x50: {  	_ =	shalt  }
0x51: {  	_ =	shalt  }
0x52: {  	_ =	shalt  }
0x53: {  	_ =	shalt  }
0x54: {  	_ =	shalt  }
0x55: {  	_ =	shalt  }
0x56: {  	_ =	shalt  }
0x57: {  	_ =	shalt  }
0x58: {  	_ =	shalt  }
0x59: {  	_ =	shalt  }
0x5a: {  	_ =	shalt  }
0x5b: {  	_ =	shalt  }
0x5c: {  	_ =	shalt  }
0x5d: {  	_ =	shalt  }
0x5e: {  	_ =	shalt  }
0x5f: {  	_ =	shalt  }
0x60: {  	_ =	shalt  }
0x61: {  	_ =	shalt  }
0x62: {  	_ =	shalt  }
0x63: {  	_ =	shalt  }
0x64: {  	_ =	shalt  }
0x65: {  	_ =	shalt  }
0x66: {  	_ =	shalt  }
0x67: {  	_ =	shalt  }
0x68: {  	_ =	shalt  }
0x69: {  	_ =	shalt  }
0x6a: {  	_ =	shalt  }
0x6b: {  	_ =	shalt  }
0x6c: {  	_ =	shalt  }
0x6d: {  	_ =	shalt  }
0x6e: {  	_ =	shalt  }
0x6f: {  	_ =	shalt  }
0x70: {  	_ =	shalt  }
0x71: {  	_ =	shalt  }
0x72: {  	_ =	shalt  }
0x73: {  	_ =	shalt  }
0x74: {  	_ =	shalt  }
0x75: {  	_ =	shalt  }
0x76: {  	_ =	shalt  }
0x77: {  	_ =	shalt  }
0x78: {  	_ =	shalt  }
0x79: {  	_ =	shalt  }
0x7a: {  	_ =	shalt  }
0x7b: {  	_ =	shalt  }
0x7c: {  	_ =	shalt  }
0x7d: {  	_ =	shalt  }
0x7e: {  	_ =	shalt  }
0x7f: {  	_ =	shalt  }
0x80: {  	_ =	shalt  }
0x81: {  	_ =	shalt  }
0x82: {  	_ =	shalt  }
0x83: {  	_ =	shalt  }
0x84: {  	_ =	shalt  }
0x85: {  	_ =	shalt  }
0x86: {  	_ =	shalt  }
0x87: {  	_ =	shalt  }
.Lfunc_end0:
.L_simem_size_0:
called_computation_lowered:
.L_overlay_start_0:
0x88: {  	s2 =	sld [smem:$0x3FD9]  }
0x89: {  	s3 =	sld [smem:$0x3FFE];
	_ =	sdelay $0x1  }
0x8a: {  	s1 =	srdreg.scid  }
0x8b: {  	s0 =	sand.u32 $0x1, s1  }
0x8c: {  	s18 =	sshll.u32 s0, $0xA;
	s2 =	sadd.s32 s3, s2  }
0x8d: {  	s2 =	sadd.s32 s2, s18  }
0x8e: {  	[smem:$0x3FC6] =	sst s2  }
0x8f: {  	_ = 	snop  }
0x90: {  	s2 =	sld [smem:$0x3FC9]  }
0x91: {  	s19 =	sld [smem:$0x3FC8]  }
0x92: {  	s4 =	sld [smem:$0x3FD0];
	(tm) =	ssettm $0x1  }
0x93: {  	s5 =	sld [smem:$0x3FFB];
	_ =	sdelay $0x3  }
0x94: {  	_ =	strace s5  }
0x95: {  	s5 =	sld [smem:$0x3FFC];
	_ =	sdelay $0x3  }
0x96: {  	_ =	strace s5  }
0x97: {  	s5 =	sld [smem:$0x3FFD];
	_ =	sdelay $0x3  }
0x98: {  	_ =	strace s5  }
0x99: {  	_ =	strace $0x8FFFFFFF  }
0x9a: {  	s20 =	sld [smem:$0x3FDB];
	_ =	sdelay $0x1  }
0x9b: {  	s6 =	simm.s32 $_scs_section_size  }
0x9c: {  	s7 =	simm.s32 $_size__tile_overlayer_lowered;
	s8 =	simm.s32 $_tile_overlayer_lowered  }
0x9d: {  	s23 =	simm.s32 $0x1BFF;
	s22 =	sshll.u32 s8, $0x1;
	s5 =	sadd.s32 s6, s20  }
0x9e: {  	s9 =	simm.s32 $0x0;
	s21 =	sshll.u32 s7, $0x1;
	s7 =	sadd.s32 s22, s5  }
0x9f: {  	[timem:s9], [sflag:s23] =	dma.local [hbm:s7], s21  }
0xa0: {  	_ =	swait.ge [sflag:s23], s21  }
0xa1: {  	s6 =	ssub.s32 $0x0, s21;
	[sflag:s23] =	ssyncset.done $0x0  }
0xa2: {  	[sflag:s23] =	ssyncadd.s32 s6;
	_ =	sdelay $0x1  }
0xa3: {  	s24 =	simm.s32 $0x1B8B  }
0xa4: {  	_ =	swait.ge [sflag:s24], $0x1  }
0xa5: {  	[sflag:s24] =	ssyncset.done $0x0  }
0xa6: {  	s25 =	simm.s32 $0x1B8E;
	[sflag:s24] =	ssyncadd.s32 $0xFFFFFFFF  }
0xa7: {  	s26 =	simm.s32 $execute0_lowered;
	[smem:$0x3FD2] =	sst s25  }
0xa8: {  	s6 =	sshll.u32 s26, $0x1;
	_ =	strace $0x80000046;
	[dreg:$0x1] =	wrdreg $0xFFFFFFFF  }
0xa9: {  	s28 =	simm.s32 $_size_execute0_lowered;
	s5 =	sadd.s32 s5, s6;
	[dreg:$0x0] =	wrdreg $0x0  }
0xaa: {  	s6 =	sshll.u32 s28, $0x1;
	[dreg:$0x2] =	wrdreg s5  }
0xab: {  	[dreg:$0x3] =	wrdreg s6  }
0xac: {  	[dreg:$0x4] =	wrdreg $0xC0  }
0xad: {  	_ =	task [dreg:s9], $0x5FFFF  }
0xae: {  	[dreg:$0x1] =	wrdreg $0xFFFFFFFF  }
0xaf: {  	[dreg:$0x0] =	wrdreg $0x60  }
0xb0: {  	[dreg:$0x2] =	wrdreg s19  }
0xb1: {  	[dreg:$0x3] =	wrdreg s2  }
0xb2: {  	[dreg:$0x4] =	wrdreg s4  }
0xb3: {  	[dreg:$0x5] =	wrdreg $0x9  }
0xb4: {  	_ =	task.clear_ibuf [dreg:s9], $0x6FFFF;
	_ =	strace $0x90000046  }
0xb5: {  	s29 =	simm.s32 $0x9;
	_ =	strace $0x80000048  }
0xb6: {  	_ =	swait.ge [sflag:s29], $0x1  }
0xb7: {  	[sflag:s29] =	ssyncadd.s32 $0xFFFFFFFF  }
0xb8: {  	_ =	strace $0x90000048  }
0xb9: {  	_ =	sfence  }
0xba: {  	s30 =	sld [smem:$0x0];
	_ =	sdelay $0x2  }
0xbb: {  	s31 =	sshll.u32 s1, $0xD;
	s1 =	sshrl.u32 s1, $0x2  }
0xbc: {  	s3 =	sand.u32 $0x4000, s31;
	s1 =	sadd.s32 s1, s30  }
0xbd: {  	s0 =	sor.u32 s3, s0;
	s1 =	sshll.u32 s1, $0x11  }
0xbe: {  	s0 =	sor.u32 s1, s0  }
0xbf: {  	s0 =	sadd.s32 $0x8F2B, s0  }
0xc0: {  	[sflag:s0] =	ssyncadd.remote.s32 $0x1  }
0xc1: {  	_ =	sfence.sel $0xFFFF  }
0xc2: {  	[dreg:$0x0] =	wrdreg $0xFFFFFFFF;
	(pc) =	sbr.abs _section_cstart, $3  }
0xc3: {  	[dreg:$0x1] =	wrdreg $0xFFFFFFFF  }
0xc4: {  	_ =	task.clear_ibuf [dreg:s9], $0x2FFFF;
	_ =	strace $0x9FFFFFFF  }
0xc5: {  	(tm) =	ssettm $0x7FFFFFFF  }
tec
execute0_lowered:
.L_overlay_start_1:
0x0: {  	(tag) =	ssettag $0x1  }
0x1: {  	s1 =	rddreg [dreg:$0x0]  }
0x2: {  	s2 =	rddreg [dreg:$0x1]  }
0x3: {  	s4 =	rddreg [dreg:$0x2];
	s5 =	simm.s32 $0x0  }
0x4: {  	s0 =	srdreg.scid;
	s6 =	stileid.u32;
	s15 =	simm.s32 $0x80  }
0x5: {  	s16 =	simm.s32 $0x400;
	s18 =	simm.s32 $0xC380;
	s19 =	simm.s32 $0x3  }
0x6: {  	s20 =	simm.s32 $0x19700;
	s21 =	simm.s32 $0x1;
	s22 =	simm.s32 $0x2  }
0x7: {  	s23 =	simm.s32 $0x1A700;
	s24 =	simm.s32 $0x1B700;
	s25 =	simm.s32 $0x4  }
0x8: {  	s26 =	simm.s32 $0x5;
	s28 =	simm.s32 $0x0;
	s0 =	sand.u32 $0x1, s0  }
0x9: {  	s3 =	sshrl.u32 s6, $0x2;
	s6 =	sshll.u32 s6, $0x8;
	[smem:$0x7FF] =	sst s5  }
0xa: {  	s7 =	smul.u32 $0xC3800, s3;
	s8 =	sshll.u32 s0, $0x7;
	s6 =	sand.u32 $0x300, s6  }
0xb: {  	_ =	strace $0x80000047;
	s0 =	ssub.s32 $0x2, s0;
	s6 =	sor.u32 s8, s6  }
0xc: {  	s3 =	sshll.u32 s3, $0xF;
	s9 =	sshrl.u32 s0, $0x1;
	s8 =	sor.u32 s7, s6  }
0xd: {  	s0 =	ssub.s32 s0, s9;
	s14 =	sor.u32 s6, s3;
	s10 =	sshrl.u32 s8, $0x3  }
0xe: {  	s11 =	sadd.s32 $0x61C00, s8;
	s12 =	sadd.s32 $0x67DC00, s8;
	s0 =	smax.u32 s0, $0x1  }
0xf: {  	s30 =	sadd.s32 s1, s10;
	s31 =	sshrl.u32 s11, $0x3;
	[dreg:$0x6] =	wrdreg s0  }
0x10: {  	s10 =	sadd.s32 $0x30E000, s7;
	[dreg:$0x4] =	wrdreg s30;
	s9 =	sadd.s32 s1, s31  }
0x11: {  	s11 =	sadd.s32 $0x61C000, s8;
	[dreg:$0x5] =	wrdreg s9;
	s9 =	sor.u32 $0x61C00, s6  }
.LBB2_1:
0x12: {  	s0 =	simm.s32 $0x18700  }
0x13: {  	[tilespmem:s0], [sflag:$0x3] =	stream.strided.gather [hbm4b:s2+s15], $0x1000, s16, s15, $0x38;
	[tilespmem:$0x1C700] =	vst v63  }
0x14: {  	s30 =	rddreg [dreg:$0x4]  }
0x15: {  	[tilespmem:s5], [sflag:$0x1] =	stream.strided.gather [hbm4b:s30+s15], $0xC380, s16, s15, $0x38;
	[tilespmem:$0x1C700] =	vst v63  }
0x16: {  	s31 =	rddreg [dreg:$0x5];
	s29 =	simm.s32 $0x0  }
0x17: {  	[tilespmem:s18], [sflag:$0x2] =	stream.strided.gather [hbm4b:s31+s15], $0xC380, s16, s15, $0x38;
	[tilespmem:$0x1C700] =	vst v63  }
.LBB2_2:
0x18: {  	s31 =	smul.u32 $0x70000, s29;
	_ =	sdelay $0x1  }
0x19: {  	_ =	swait.ge [sflag:s19], $0x1000;
	s0 =	sshrl.u32 s31, $0x3  }
0x1a: {  	[sflag:s19] =	ssyncset.done $0x0;
	s0 =	sadd.s32 s2, s0  }
0x1b: {  	[sflag:s19] =	ssyncadd.s32 $0xFFFFF000;
	s0 =	sadd.s32 $0x7000, s0  }
0x1c: {  	[tilespmem:s20], [sflag:$0x3] =	stream.strided.gather [hbm4b:s0+s15], $0x1000, s16, s15, $0x38;
	[tilespmem:$0x1C700] =	vst v63  }
0x1d: {  	_ =	swait.ge [sflag:s21], $0xC380  }
0x1e: {  	p0 =	seq.s32 s29, $0x0;
	[sflag:s21] =	ssyncset.done $0x0  }
0x1f: {  	s0 =	simm.s32 @!p0 $0x4;
	[sflag:s21] =	ssyncadd.s32 $0xFFFF3C80  }
0x20: {  	_ =	swait.ge @!p0 [sflag:s0], $0x1000  }
0x21: {  	[sflag:s0] =	ssyncset.done @!p0 $0x0  }
0x22: {  	s3 =	simm.s32 $0x0;
	[sflag:s0] =	ssyncadd.s32 @!p0 $0xFFFFF000  }
0x23: {  	v1 =	vld [tilespmem:s3+$0x18700];
	_ =	sdelay $0x4  }
0x24: {  	vm0 =	vlt.s32 v1, $0xC380  }
0x25: {  	s7 =	simm.s32 $0x10  }
0x26: {  	v0 =	vld [tilespmem:s7+$0x18700];
	_ =	sdelay $0x3  }
0x27: {  	v1 =	vld.idx.msk [tilespmem:v1+s5+$0x0], vm0  }
0x28: {  	vm0 =	vlt.s32 v0, $0xC380;
	_ =	sdelay $0x1  }
0x29: {  	s8 =	simm.s32 $0x20;
	s13 =	simm.s32 $0xC0;
	s0 =	sshll.u32 s29, $0x1  }
.LBB2_3:
0x2a: {  	p1 =	sne.s32 s13, $0x3FC0;
	v2 =	vld [tilespmem:s8+$0x18700]  }
0x2b: {  	[tilespmem:s3+$0x1A700] =	vst v1;
	s3 =	smov.u32 s7;
	s7 =	smov.u32 s8;
	_ =	sdelay $0x1  }
.Ltmp0:
0x2c: {  	v1 =	vld.idx.msk [tilespmem:v0+s5+$0x0], vm0;
	(pc) =	sbr.rel @p1 .LBB2_3-.Ltmp0, $3  }
0x2d: {  	_ = 	snop  }
0x2e: {  	vm0 =	vlt.s32 v2, $0xC380;
	v0 =	vmov v2;
	_ =	sdelay $0x1  }
0x2f: {  	s8 =	sshra.s32 s13, $0x2;
	s13 =	sadd.s32 $0x40, s13  }
0x30: {  	v2 =	vld [tilespmem:s8+$0x18700];
	_ =	sdelay $0x3  }
0x31: {  	[tilespmem:s3+$0x1A700] =	vst v1  }
0x32: {  	v0 =	vld.idx.msk [tilespmem:v0+s5+$0x0], vm0;
	vm0 =	vlt.s32 v2, $0xC380;
	_ =	sdelay $0x4  }
0x33: {  	[tilespmem:s7+$0x1A700] =	vst v0  }
0x34: {  	s30 =	smul.u32 $0x61C000, s29;
	v0 =	vld.idx.msk [tilespmem:v2+s5+$0x0], vm0;
	_ =	sdelay $0x1  }
0x35: {  	s3 =	sadd.s32 s30, s10  }
0x36: {  	s13 =	sor.u32 s6, s3  }
0x37: {  	s7 =	sshrl.u32 s13, $0x3  }
0x38: {  	s17 =	simm.s32 $0x0;
	s7 =	sadd.s32 s1, s7;
	[tilespmem:s8+$0x1A700] =	vst v0  }
0x39: {  	[tilespmem:s17], [sflag:$0x1] =	stream.strided.gather [hbm4b:s7+s15], $0xC380, s16, s15, $0x38;
	[tilespmem:$0x1C700] =	vst v63  }
0x3a: {  	_ =	swait.ge [sflag:s22], $0xC380  }
0x3b: {  	[sflag:s22] =	ssyncset.done $0x0  }
0x3c: {  	s7 =	simm.s32 $0x0;
	[sflag:s22] =	ssyncadd.s32 $0xFFFF3C80  }
0x3d: {  	v0 =	vld [tilespmem:s7+$0x18700];
	_ =	sdelay $0x4  }
0x3e: {  	vm0 =	vgt.s32 v0, $0xC37F  }
0x3f: {  	v0 =	vadd.s32 $0xFFFF3C80, v0  }
0x40: {  	s17 =	simm.s32 $0x10  }
0x41: {  	v1 =	vld [tilespmem:s17+$0x18700];
	_ =	sdelay $0x1  }
0x42: {  	v2 =	vld [tilespmem:s7+$0x1A700]  }
0x43: {  	v0 =	vld.idx.msk [tilespmem:v0+s18+$0x0], vm0;
	_ =	sdelay $0x1  }
0x44: {  	vm1 =	vmmov vm0;
	vm0 =	vgt.s32 v1, $0xC37F;
	v1 =	vadd.s32 $0xFFFF3C80, v1  }
0x45: {  	s13 =	simm.s32 $0xC0;
	s8 =	simm.s32 $0x20  }
.LBB2_5:
0x46: {  	p1 =	sne.s32 s13, $0x3FC0;
	v3 =	vld [tilespmem:s8+$0x18700]  }
0x47: {  	v0 =	vsel vm1, v0, v2;
	vm1 =	vmmov vm0  }
0x48: {  	[tilespmem:s7+$0x1A700] =	vst v0;
	s7 =	smov.u32 s17;
	s17 =	smov.u32 s8  }
.Ltmp1:
0x49: {  	v0 =	vld.idx.msk [tilespmem:v1+s18+$0x0], vm0;
	(pc) =	sbr.rel @p1 .LBB2_5-.Ltmp1, $4  }
0x4a: {  	v2 =	vld [tilespmem:s7+$0x1A700]  }
0x4b: {  	vm0 =	vgt.s32 v3, $0xC37F  }
0x4c: {  	v1 =	vadd.s32 $0xFFFF3C80, v3  }
0x4d: {  	s8 =	sshra.s32 s13, $0x2;
	s13 =	sadd.s32 $0x40, s13  }
0x4e: {  	_ =	sdelay $0x2  }
0x4f: {  	v3 =	vld [tilespmem:s8+$0x18700];
	v0 =	vsel vm1, v0, v2  }
0x50: {  	[tilespmem:s7+$0x1A700] =	vst v0  }
0x51: {  	v0 =	vld.idx.msk [tilespmem:v1+s18+$0x0], vm0  }
0x52: {  	v1 =	vld [tilespmem:s17+$0x1A700];
	_ =	sdelay $0x1  }
0x53: {  	vm1 =	vgt.s32 v3, $0xC37F  }
0x54: {  	v2 =	vadd.s32 $0xFFFF3C80, v3  }
0x55: {  	vm0 =	vmmov vm0  }
0x56: {  	v0 =	vsel vm0, v0, v1  }
0x57: {  	[tilespmem:s17+$0x1A700] =	vst v0  }
0x58: {  	v1 =	vld [tilespmem:s8+$0x1A700]  }
0x59: {  	v0 =	vld.idx.msk [tilespmem:v2+s18+$0x0], vm1;
	_ =	sdelay $0x3  }
0x5a: {  	s3 =	sadd.s32 s9, s3;
	vm0 =	vmmov vm1  }
0x5b: {  	s3 =	sshrl.u32 s3, $0x3;
	v0 =	vsel vm0, v0, v1  }
0x5c: {  	s3 =	sadd.s32 s1, s3;
	s17 =	sshll.u32 s29, $0x12;
	[tilespmem:s8+$0x1A700] =	vst v0  }
0x5d: {  	[tilespmem:s18], [sflag:$0x2] =	stream.strided.gather [hbm4b:s3+s15], $0xC380, s16, s15, $0x38;
	[tilespmem:$0x1C700] =	vst v63  }
0x5e: {  	s3 =	sor.u32 s14, s17  }
0x5f: {  	s0 =	sor.u32 $0x1, s0;
	s3 =	sshrl.u32 s3, $0x3  }
0x60: {  	p1 =	sgt.u32 s0, $0x18;
	s3 =	sadd.s32 s4, s3  }
0x61: {  	[hbm4b:s3+s15] =	stream.strided.scatter [tilespmem:s23], [sflag:$0x4], $0x1000, s16, s15, $0x38;
	[tilespmem:$0x1C700] =	vst v63  }
0x62: {  	s7 =	simm.s32 @!p1 $0x80;
	s3 =	sshrl.u32 @!p1 s31, $0x3;
	_ =	swait.ge [sflag:s19], $0x1000  }
0x63: {  	s13 =	simm.s32 @!p1 $0x18700;
	s3 =	sadd.s32 @!p1 s2, s3;
	[sflag:s19] =	ssyncset.done $0x0  }
0x64: {  	s8 =	simm.s32 @!p1 $0x400;
	s3 =	sadd.s32 @!p1 $0xE000, s3;
	[sflag:s19] =	ssyncadd.s32 $0xFFFFF000  }
0x65: {  	[tilespmem:s13], [sflag:$0x3] =	stream.strided.gather @!p1 [hbm4b:s3+s7], $0x1000, s8, s7, $0x38;
	[tilespmem:$0x1C700] =	vst v63  }
0x66: {  	_ =	swait.ge [sflag:s21], $0xC380  }
0x67: {  	[sflag:s21] =	ssyncset.done $0x0  }
0x68: {  	s3 =	simm.s32 @!p0 $0x5;
	[sflag:s21] =	ssyncadd.s32 $0xFFFF3C80  }
0x69: {  	_ =	swait.ge @!p0 [sflag:s3], $0x1000  }
0x6a: {  	[sflag:s3] =	ssyncset.done @!p0 $0x0  }
0x6b: {  	[sflag:s3] =	ssyncadd.s32 @!p0 $0xFFFFF000;
	s3 =	simm.s32 $0x0  }
0x6c: {  	v1 =	vld [tilespmem:s3+$0x19700];
	_ =	sdelay $0x4  }
0x6d: {  	vm0 =	vlt.s32 v1, $0xC380  }
0x6e: {  	s7 =	simm.s32 $0x10  }
0x6f: {  	v0 =	vld [tilespmem:s7+$0x19700];
	_ =	sdelay $0x3  }
0x70: {  	v1 =	vld.idx.msk [tilespmem:v1+s5+$0x0], vm0  }
0x71: {  	vm0 =	vlt.s32 v0, $0xC380;
	_ =	sdelay $0x1  }
0x72: {  	s8 =	simm.s32 $0x20;
	s13 =	simm.s32 $0xC0  }
.LBB2_7:
0x73: {  	p0 =	sne.s32 s13, $0x3FC0;
	v2 =	vld [tilespmem:s8+$0x19700]  }
0x74: {  	[tilespmem:s3+$0x1B700] =	vst v1;
	s3 =	smov.u32 s7;
	s7 =	smov.u32 s8;
	_ =	sdelay $0x1  }
.Ltmp2:
0x75: {  	v1 =	vld.idx.msk [tilespmem:v0+s5+$0x0], vm0;
	(pc) =	sbr.rel @p0 .LBB2_7-.Ltmp2, $3  }
0x76: {  	_ = 	snop  }
0x77: {  	vm0 =	vlt.s32 v2, $0xC380;
	v0 =	vmov v2;
	_ =	sdelay $0x1  }
0x78: {  	s8 =	sshra.s32 s13, $0x2;
	s13 =	sadd.s32 $0x40, s13  }
0x79: {  	v2 =	vld [tilespmem:s8+$0x19700];
	_ =	sdelay $0x3  }
0x7a: {  	[tilespmem:s3+$0x1B700] =	vst v1  }
0x7b: {  	v0 =	vld.idx.msk [tilespmem:v0+s5+$0x0], vm0;
	vm0 =	vlt.s32 v2, $0xC380;
	_ =	sdelay $0x4  }
0x7c: {  	[tilespmem:s7+$0x1B700] =	vst v0  }
0x7d: {  	v0 =	vld.idx.msk [tilespmem:v2+s5+$0x0], vm0;
	_ =	sdelay $0x2  }
0x7e: {  	s3 =	sadd.s32 @!p1 s30, s11  }
0x7f: {  	s13 =	simm.s32 @!p1 $0x0;
	s3 =	sshrl.u32 @!p1 s3, $0x3  }
0x80: {  	s3 =	sadd.s32 @!p1 s1, s3;
	s7 =	simm.s32 @!p1 $0x80;
	[tilespmem:s8+$0x1B700] =	vst v0;
	s8 =	simm.s32 @!p1 $0x400  }
0x81: {  	[tilespmem:s13], [sflag:$0x1] =	stream.strided.gather @!p1 [hbm4b:s3+s7], $0xC380, s8, s7, $0x38;
	[tilespmem:$0x1C700] =	vst v63  }
0x82: {  	_ =	swait.ge [sflag:s22], $0xC380  }
0x83: {  	[sflag:s22] =	ssyncset.done $0x0  }
0x84: {  	s7 =	simm.s32 $0x0;
	[sflag:s22] =	ssyncadd.s32 $0xFFFF3C80  }
0x85: {  	v0 =	vld [tilespmem:s7+$0x19700];
	_ =	sdelay $0x4  }
0x86: {  	vm0 =	vgt.s32 v0, $0xC37F  }
0x87: {  	v0 =	vadd.s32 $0xFFFF3C80, v0  }
0x88: {  	s3 =	simm.s32 $0x10  }
0x89: {  	v1 =	vld [tilespmem:s3+$0x19700];
	_ =	sdelay $0x1  }
0x8a: {  	v2 =	vld [tilespmem:s7+$0x1B700]  }
0x8b: {  	v0 =	vld.idx.msk [tilespmem:v0+s18+$0x0], vm0;
	_ =	sdelay $0x1  }
0x8c: {  	vm1 =	vmmov vm0;
	vm0 =	vgt.s32 v1, $0xC37F;
	v1 =	vadd.s32 $0xFFFF3C80, v1  }
0x8d: {  	s17 =	simm.s32 $0x20;
	s8 =	simm.s32 $0xC0  }
.LBB2_9:
0x8e: {  	p0 =	sne.s32 s8, $0x3FC0;
	v3 =	vld [tilespmem:s17+$0x19700]  }
0x8f: {  	v0 =	vsel vm1, v0, v2;
	vm1 =	vmmov vm0  }
0x90: {  	[tilespmem:s7+$0x1B700] =	vst v0;
	s7 =	smov.u32 s3;
	s3 =	smov.u32 s17  }
.Ltmp3:
0x91: {  	v0 =	vld.idx.msk [tilespmem:v1+s18+$0x0], vm0;
	(pc) =	sbr.rel @p0 .LBB2_9-.Ltmp3, $4  }
0x92: {  	v2 =	vld [tilespmem:s7+$0x1B700]  }
0x93: {  	vm0 =	vgt.s32 v3, $0xC37F  }
0x94: {  	v1 =	vadd.s32 $0xFFFF3C80, v3  }
0x95: {  	s17 =	sshra.s32 s8, $0x2;
	s8 =	sadd.s32 $0x40, s8  }
0x96: {  	_ =	sdelay $0x2  }
0x97: {  	v3 =	vld [tilespmem:s17+$0x19700];
	v0 =	vsel vm1, v0, v2  }
0x98: {  	[tilespmem:s7+$0x1B700] =	vst v0  }
0x99: {  	v0 =	vld.idx.msk [tilespmem:v1+s18+$0x0], vm0  }
0x9a: {  	v61 =	vld [tilespmem:s3+$0x1B700];
	_ =	sdelay $0x1  }
0x9b: {  	vm13 =	vgt.s32 v3, $0xC37F  }
0x9c: {  	v62 =	vadd.s32 $0xFFFF3C80, v3  }
0x9d: {  	vm14 =	vmmov vm0  }
0x9e: {  	v0 =	vsel vm14, v0, v61  }
0x9f: {  	[tilespmem:s3+$0x1B700] =	vst v0  }
0xa0: {  	v63 =	vld [tilespmem:s17+$0x1B700]  }
0xa1: {  	v0 =	vld.idx.msk [tilespmem:v62+s18+$0x0], vm13;
	_ =	sdelay $0x2  }
0xa2: {  	s8 =	simm.s32 @!p1 $0x400;
	s13 =	simm.s32 @!p1 $0xC380;
	s29 =	sadd.s32 $0x1, s29  }
0xa3: {  	s0 =	sshll.u32 s0, $0x11;
	p0 =	sne.s32 s29, $0xD;
	vm15 =	vmmov vm13;
	s3 =	sadd.s32 @!p1 s30, s12  }
.Ltmp4:
0xa4: {  	s0 =	sor.u32 s14, s0;
	s3 =	sshrl.u32 @!p1 s3, $0x3;
	v0 =	vsel vm15, v0, v63;
	(pc) =	sbr.rel @p0 .LBB2_2-.Ltmp4, $4  }
0xa5: {  	s7 =	simm.s32 @!p1 $0x80;
	s0 =	sshrl.u32 s0, $0x3;
	s3 =	sadd.s32 @!p1 s1, s3;
	[tilespmem:s17+$0x1B700] =	vst v0  }
0xa6: {  	[tilespmem:s13], [sflag:$0x2] =	stream.strided.gather @!p1 [hbm4b:s3+s7], $0xC380, s8, s7, $0x38;
	[tilespmem:$0x1C700] =	vst v63  }
0xa7: {  	s0 =	sadd.s32 s4, s0  }
0xa8: {  	[hbm4b:s0+s15] =	stream.strided.scatter [tilespmem:s24], [sflag:$0x5], $0x1000, s16, s15, $0x38;
	[tilespmem:$0x1C700] =	vst v63  }
0xa9: {  	_ =	swait.ge [sflag:s25], $0x1000  }
0xaa: {  	[sflag:s25] =	ssyncset.done $0x0  }
0xab: {  	[sflag:s25] =	ssyncadd.s32 $0xFFFFF000  }
0xac: {  	_ =	swait.ge [sflag:s26], $0x1000  }
0xad: {  	s28 =	sadd.s32 $0x1, s28;
	s0 =	rddreg [dreg:$0x6]  }
0xae: {  	p0 =	sne.s32 s28, s0  }
.Ltmp5:
0xaf: {  	_ = 	snop;
	(pc) =	sbr.rel @p0 .LBB2_1-.Ltmp5, $3  }
0xb0: {  	_ =	sdelay $0x1  }
0xb1: {  	[sflag:s26] =	ssyncset.done $0x0  }
0xb2: {  	[sflag:s26] =	ssyncadd.s32 $0xFFFFF000  }
0xb3: {  	_ =	sfence.sel $0x180000  }
0xb4: {  	[bflag:$0x0] =	sbarrier.arrive $0xFFFF  }
0xb5: {  	_ =	strace $0x90000047  }
0xb6: {  	s0 =	stileid.u32;
	[bflag:$0x2] =	sbarrier.arrive $0xFFFF  }
0xb7: {  	p0 =	sne.s32 s0, $0x0;
	s0 =	rddreg [dreg:$0x3]  }
0xb8: {  	s0 =	sadd.s32 @!p0 $0x100000, s0  }
0xb9: {  	[sflag:s0] =	ssyncadd.tile.s32 @!p0 $0x1;
	_ =	shalt  }
.Lfunc_end2:
_tile_overlayer_lowered:
.L_overlay_start_2:
0xba: {  	(tag) =	ssettag $0x2  }
0xbb: {  	s0 =	rddreg [dreg:$0x0];
	s2 =	stileid.u32  }
0xbc: {  	s1 =	rddreg [dreg:$0x1];
	p0 =	sne.s32 s2, $0x0  }
0xbd: {  	s3 =	rddreg [dreg:$0x2];
	[bflag:$0x3] =	sbarrier.arrive $0xFFFF;
	s2 =	simm.s32 @!p0 $0x1C06  }
0xbe: {  	[timem:s3], [sflag:s2] =	dma.local @!p0 [hbm:s0], s1  }
0xbf: {  	s0 =	simm.s32 @!p0 $0x6  }
0xc0: {  	_ =	swait.ge @!p0 [sflag:s0], s1  }
0xc1: {  	s1 =	ssub.s32 @!p0 $0x0, s1;
	[sflag:s0] =	ssyncset.done @!p0 $0x0  }
0xc2: {  	[sflag:s0] =	ssyncadd.s32 @!p0 s1  }
0xc3: {  	[bflag:$0x3] =	sbarrier.arrive $0xFFFF  }
0xc4: {  	_ =	shalt  }

</sc_bundles>
